<compile_context>
chip_gen: v7x
topology: tpu7x:2x2x1
jax: 0.10.2.dev20260603
libtpu: 0.0.44.dev20260713+nightly
codegen_flags: <defaults>
</compile_context>

<pallas_src>
import functools

import jax
import jax.numpy as jnp
from jax import lax
from jax.experimental import pallas as pl
from jax.experimental.pallas import tpu as pltpu
from jax.experimental.pallas import tpu_sc as plsc

N_NODES = 10000
N_EDGES = 320000
D = 128

NC = 2
NS = 16
B = 128
CHUNKS0 = 79
CHUNKS1 = 78
E0 = NS * CHUNKS0 * B
CHUNKS1_LAST = (N_EDGES - E0) // B - (NS - 1) * CHUNKS1
ROWS_PER_TILE = 632
ACC_ROWS = NS * ROWS_PER_TILE
OUT_ROWS_PER_TILE = 624
OUT_ROWS_LAST = N_NODES - 15 * OUT_ROWS_PER_TILE


def _sc_segment_sum(edges, h, zeros_chunk):
  mesh = plsc.VectorSubcoreMesh(core_axis_name="c", subcore_axis_name="s")

  @functools.partial(
      pl.kernel,
      mesh=mesh,
      out_type=jax.ShapeDtypeStruct((NC, N_NODES, D), jnp.float32),
      scratch_types=[
          pltpu.VMEM((CHUNKS0 * B,), jnp.int32),
          pltpu.VMEM((CHUNKS0 * B,), jnp.int32),
          pltpu.VMEM((B, D), jnp.float32),
          pltpu.VMEM_SHARED((ACC_ROWS, D), jnp.float32),
          pltpu.SemaphoreType.DMA,
          pltpu.SemaphoreType.DMA,
          pltpu.SemaphoreType.DMA,
      ],
  )
  def seg_sum(edges_hbm, h_hbm, z_hbm, out_hbm,
              src_v, dst_v, rows_v, acc_sh, sem, sem_s, sem_d):
    c = lax.axis_index("c")
    s = lax.axis_index("s")

    start = jnp.where(c == 0, s * (CHUNKS0 * B),
                      E0 + s * (CHUNKS1 * B))
    startc = jnp.minimum(start, N_EDGES - CHUNKS0 * B)
    off = (start - startc) // B
    cp_s = pltpu.async_copy(edges_hbm.at[0, pl.ds(startc, CHUNKS0 * B)],
                            src_v, sem_s)
    cp_d = pltpu.async_copy(edges_hbm.at[1, pl.ds(startc, CHUNKS0 * B)],
                            dst_v, sem_d)

    pltpu.sync_copy(z_hbm, acc_sh.at[pl.ds(s * ROWS_PER_TILE, ROWS_PER_TILE)])
    cp_s.wait()
    cp_d.wait()
    plsc.subcore_barrier()

    def body(jj, carry):
      j = jj + off
      pltpu.async_copy(h_hbm.at[src_v.at[pl.ds(j * B, B)]], rows_v, sem).wait()
      pltpu.sync_copy(rows_v, acc_sh.at[dst_v.at[pl.ds(j * B, B)]], add=True)
      return carry

    nchunks = jnp.where(c == 0, CHUNKS0,
                        jnp.where(s == NS - 1, CHUNKS1_LAST, CHUNKS1))
    lax.fori_loop(0, nchunks, body, 0)
    plsc.subcore_barrier()

    base = s * OUT_ROWS_PER_TILE

    @pl.when(s < NS - 1)
    def _():
      pltpu.sync_copy(acc_sh.at[pl.ds(base, OUT_ROWS_PER_TILE)],
                      out_hbm.at[c, pl.ds(base, OUT_ROWS_PER_TILE)])

    @pl.when(s == NS - 1)
    def _():
      last = (NS - 1) * OUT_ROWS_PER_TILE
      pltpu.sync_copy(acc_sh.at[pl.ds(last, OUT_ROWS_LAST)],
                      out_hbm.at[c, pl.ds(last, OUT_ROWS_LAST)])

  return seg_sum(edges, h, zeros_chunk)


def _tc_combine_body(h_ref, p_ref, ws_ref, wn_ref, b_ref, o_ref):
  agg = p_ref[0] + p_ref[1]
  acc = jnp.dot(h_ref[...], ws_ref[...], preferred_element_type=jnp.float32)
  acc = acc + jnp.dot(agg, wn_ref[...], preferred_element_type=jnp.float32)
  o_ref[...] = jnp.maximum(acc + b_ref[...], 0.0)


def _tc_combine(h, partials, w_self, w_neigh, b):
  blk = 2000
  grid = (N_NODES // blk,)
  return pl.pallas_call(
      _tc_combine_body,
      grid=grid,
      in_specs=[
          pl.BlockSpec((blk, D), lambda i: (i, 0)),
          pl.BlockSpec((NC, blk, D), lambda i: (0, i, 0)),
          pl.BlockSpec((D, D), lambda i: (0, 0)),
          pl.BlockSpec((D, D), lambda i: (0, 0)),
          pl.BlockSpec((1, D), lambda i: (0, 0)),
      ],
      out_specs=pl.BlockSpec((blk, D), lambda i: (i, 0)),
      out_shape=jax.ShapeDtypeStruct((N_NODES, D), jnp.float32),
  )(h, partials, w_self, w_neigh, b.reshape(1, D))


def kernel(h, edge_index, W_self, W_neigh, b, index):
  del index
  edges = edge_index.astype(jnp.int32)
  zeros_chunk = jnp.zeros((ROWS_PER_TILE, D), jnp.float32)
  partials = _sc_segment_sum(edges, h, zeros_chunk)
  return _tc_combine(h, partials, W_self, W_neigh, b)

# --- scband reference (transcript-rebuilt; emitter-appended) ---
"""Pipeline reference for scband-mponly-model-19292993094272 (READ-ONLY COPY).

The authoritative reference and input builder live on the scoring server;
editing this copy changes nothing except your own understanding.
"""

import jax, jax.numpy as jnp
import numpy as np

N_NODES = 10000
N_EDGES = 320000
D_FEAT = 128

def setup_inputs(seed: int = 0) -> dict:
    key = jax.random.key(seed)
    k_h, k_e, k_ws, k_wn, k_b = jax.random.split(key, 5)
    h = jax.random.normal(k_h, (N_NODES, D_FEAT), dtype=jnp.float32)
    edge_index = jax.random.randint(k_e, (2, N_EDGES), 0, N_NODES, dtype=jnp.int64)
    # Parameters for mp_layers[0] (SAGE-style message passing layer):
    W_self = jax.random.normal(k_ws, (D_FEAT, D_FEAT), dtype=jnp.float32) * (1.0 / np.sqrt(D_FEAT))
    W_neigh = jax.random.normal(k_wn, (D_FEAT, D_FEAT), dtype=jnp.float32) * (1.0 / np.sqrt(D_FEAT))
    b = jnp.zeros((D_FEAT,), dtype=jnp.float32)
    index = 0
    return {"h": h, "edge_index": edge_index, "W_self": W_self, "W_neigh": W_neigh, "b": b, "index": index}

def reference(h, edge_index, W_self, W_neigh, b, index):
    # MPOnlyModel.forward: h = self.mp_layers[index](h, edge_index)
    # mp layer: gather source node features along edges, scatter-add into dst
    # (sum aggregation), then combine with self features via linear + ReLU.
    src = edge_index[0]
    dst = edge_index[1]
    msgs = jnp.take(h, src, axis=0)                     # gather  [E, d]
    agg = jax.ops.segment_sum(msgs, dst, num_segments=h.shape[0])  # scatter-add [N, d]
    out = jax.nn.relu(h @ W_self + agg @ W_neigh + b)
    return out

if __name__ == "__main__":
    import jax
    _d = setup_inputs()
    print(jax.jit(kernel)(*tuple(_d.values())))

</pallas_src>

<mosaic_0001>
#map = affine_map<(d0, d1) -> (0, 0)>
#map1 = affine_map<(d0, d1) -> (0, 0, 0)>
module attributes {stable_mosaic.version = 14 : i64} {
  func.func @seg_sum(%arg0: i32, %arg1: i32, %arg2: memref<2x320000xi32, #tpu.memory_space<hbm>>, %arg3: memref<10000x128xf32, #tpu.memory_space<hbm>>, %arg4: memref<632x128xf32, #tpu.memory_space<hbm>>, %arg5: memref<2x10000x128xf32, #tpu.memory_space<hbm>>, %arg6: memref<10112xi32, #tpu.memory_space<vmem>>, %arg7: memref<10112xi32, #tpu.memory_space<vmem>>, %arg8: memref<128x128xf32, #tpu.memory_space<vmem>>, %arg9: memref<10112x128xf32, #tpu.memory_space<vmem_shared>>, %arg10: memref<!tpu.dma_semaphore, #tpu.memory_space<semaphore_mem>>, %arg11: memref<!tpu.dma_semaphore, #tpu.memory_space<semaphore_mem>>, %arg12: memref<!tpu.dma_semaphore, #tpu.memory_space<semaphore_mem>>) attributes {dimension_semantics = [#tpu.dimension_semantics<core_parallel>, #tpu.dimension_semantics<subcore_parallel>], iteration_bounds = array<i64: 2, 16>, scalar_prefetch = 0 : i64, scratch_operands = 7 : i64, tpu.core_type = #tpu.core_type<sc_vector_subcore>, window_params = [{transform_indices = #map}, {transform_indices = #map}, {transform_indices = #map}, {transform_indices = #map1}]} {
    %eq3A = arith.constant 0 : i32
    %eq3A_0 = arith.cmpi eq, %arg0, %eq3A : i32
    %mul3A = arith.constant 10112 : i32
    %mul3A_1 = arith.muli %arg1, %mul3A : i32
    %mul3A_2 = arith.constant 9984 : i32
    %mul3A_3 = arith.muli %arg1, %mul3A_2 : i32
    %add3A = arith.constant 161792 : i32
    %add3A_4 = arith.addi %add3A, %mul3A_3 : i32
    %select_n3A = arith.select %eq3A_0, %mul3A_1, %add3A_4 : i32
    %min3A = arith.constant 309888 : i32
    %min3A_5 = arith.minsi %select_n3A, %min3A : i32
    %sub3A = arith.subi %select_n3A, %min3A_5 : i32
    %jit3A = arith.constant 128 : i32
    %div3A = arith.divsi %sub3A, %jit3A : i32
    %sign3A = arith.constant 0 : i32
    %sign3A_6 = arith.cmpi sgt, %sub3A, %sign3A : i32
    %sign3A_7 = arith.extui %sign3A_6 : i1 to i32
    %sign3A_8 = arith.constant 0 : i32
    %sign3A_9 = arith.cmpi slt, %sub3A, %sign3A_8 : i32
    %sign3A_10 = arith.extui %sign3A_9 : i1 to i32
    %sign3A_11 = arith.subi %sign3A_7, %sign3A_10 : i32
    %sign3A_12 = arith.constant 0 : i32
    %sign3A_13 = arith.cmpi sgt, %jit3A, %sign3A_12 : i32
    %sign3A_14 = arith.extui %sign3A_13 : i1 to i32
    %sign3A_15 = arith.constant 0 : i32
    %sign3A_16 = arith.cmpi slt, %jit3A, %sign3A_15 : i32
    %sign3A_17 = arith.extui %sign3A_16 : i1 to i32
    %sign3A_18 = arith.subi %sign3A_14, %sign3A_17 : i32
    %ne3A = arith.cmpi ne, %sign3A_11, %sign3A_18 : i32
    %rem3A = arith.remsi %sub3A, %jit3A : i32
    %ne3A_19 = arith.constant 0 : i32
    %ne3A_20 = arith.cmpi ne, %rem3A, %ne3A_19 : i32
    %and3A = arith.andi %ne3A, %ne3A_20 : i1
    %sub3A_21 = arith.constant 1 : i32
    %sub3A_22 = arith.subi %div3A, %sub3A_21 : i32
    %select_n3A_23 = arith.select %and3A, %sub3A_22, %div3A : i32
    %dma_start3A = arith.constant 0 : i32
    %dma_start3A_24 = tpu.memref_slice %arg2[%dma_start3A, %min3A_5] : memref<2x320000xi32, #tpu.memory_space<hbm>> -> memref<1x10112xi32, #tpu.memory_space<hbm>>
    %dma_start3A_25 = tpu.memref_squeeze %dma_start3A_24 : memref<1x10112xi32, #tpu.memory_space<hbm>> -> memref<10112xi32, #tpu.memory_space<hbm>>
    %dma_start3A_26 = tpu.memref_slice %arg2[%dma_start3A, %min3A_5] : memref<2x320000xi32, #tpu.memory_space<hbm>> -> memref<1x10112xi32, #tpu.memory_space<hbm>>
    %dma_start3A_27 = tpu.memref_squeeze %dma_start3A_26 : memref<1x10112xi32, #tpu.memory_space<hbm>> -> memref<10112xi32, #tpu.memory_space<hbm>>
    tpu.enqueue_dma source(%dma_start3A_27 : memref<10112xi32, #tpu.memory_space<hbm>>) target(%arg6 : memref<10112xi32, #tpu.memory_space<vmem>>) target_semaphore(%arg11 : memref<!tpu.dma_semaphore, #tpu.memory_space<semaphore_mem>>)
    %dma_start3A_28 = arith.constant 1 : i32
    %dma_start3A_29 = tpu.memref_slice %arg2[%dma_start3A_28, %min3A_5] : memref<2x320000xi32, #tpu.memory_space<hbm>> -> memref<1x10112xi32, #tpu.memory_space<hbm>>
    %dma_start3A_30 = tpu.memref_squeeze %dma_start3A_29 : memref<1x10112xi32, #tpu.memory_space<hbm>> -> memref<10112xi32, #tpu.memory_space<hbm>>
    %dma_start3A_31 = tpu.memref_slice %arg2[%dma_start3A_28, %min3A_5] : memref<2x320000xi32, #tpu.memory_space<hbm>> -> memref<1x10112xi32, #tpu.memory_space<hbm>>
    %dma_start3A_32 = tpu.memref_squeeze %dma_start3A_31 : memref<1x10112xi32, #tpu.memory_space<hbm>> -> memref<10112xi32, #tpu.memory_space<hbm>>
    tpu.enqueue_dma source(%dma_start3A_32 : memref<10112xi32, #tpu.memory_space<hbm>>) target(%arg7 : memref<10112xi32, #tpu.memory_space<vmem>>) target_semaphore(%arg12 : memref<!tpu.dma_semaphore, #tpu.memory_space<semaphore_mem>>)
    %mul3A_33 = arith.constant 632 : i32
    %mul3A_34 = arith.muli %arg1, %mul3A_33 : i32
    "tpu.region"() ({
      %run_scoped3A = tpu.sem_alloc : memref<!tpu.dma_semaphore, #tpu.memory_space<semaphore_mem>>
      %dma_start3A_72 = arith.constant 0 : i32
      %dma_start3A_73 = tpu.memref_slice %arg9[%mul3A_34, %dma_start3A_72] : memref<10112x128xf32, #tpu.memory_space<vmem_shared>> -> memref<632x128xf32, #tpu.memory_space<vmem_shared>>
      tpu.enqueue_dma source(%arg4 : memref<632x128xf32, #tpu.memory_space<hbm>>) target(%dma_start3A_73 : memref<632x128xf32, #tpu.memory_space<vmem_shared>>) target_semaphore(%run_scoped3A : memref<!tpu.dma_semaphore, #tpu.memory_space<semaphore_mem>>)
      %dma_wait3A_74 = arith.constant 0 : i32
      %dma_wait3A_75 = tpu.memref_slice %arg9[%mul3A_34, %dma_wait3A_74] : memref<10112x128xf32, #tpu.memory_space<vmem_shared>> -> memref<632x128xf32, #tpu.memory_space<vmem_shared>>
      tpu.wait_dma2 semaphore(%run_scoped3A : memref<!tpu.dma_semaphore, #tpu.memory_space<semaphore_mem>>) src(%arg4 : memref<632x128xf32, #tpu.memory_space<hbm>>) dst(%dma_wait3A_75 : memref<632x128xf32, #tpu.memory_space<vmem_shared>>)
      tpu.yield
    }) : () -> ()
    %dma_wait3A = arith.constant 0 : i32
    %dma_wait3A_35 = tpu.memref_slice %arg2[%dma_wait3A, %min3A_5] : memref<2x320000xi32, #tpu.memory_space<hbm>> -> memref<1x10112xi32, #tpu.memory_space<hbm>>
    %dma_wait3A_36 = tpu.memref_squeeze %dma_wait3A_35 : memref<1x10112xi32, #tpu.memory_space<hbm>> -> memref<10112xi32, #tpu.memory_space<hbm>>
    %dma_wait3A_37 = tpu.memref_slice %arg2[%dma_wait3A, %min3A_5] : memref<2x320000xi32, #tpu.memory_space<hbm>> -> memref<1x10112xi32, #tpu.memory_space<hbm>>
    %dma_wait3A_38 = tpu.memref_squeeze %dma_wait3A_37 : memref<1x10112xi32, #tpu.memory_space<hbm>> -> memref<10112xi32, #tpu.memory_space<hbm>>
    tpu.wait_dma2 semaphore(%arg11 : memref<!tpu.dma_semaphore, #tpu.memory_space<semaphore_mem>>) src(%dma_wait3A_38 : memref<10112xi32, #tpu.memory_space<hbm>>) dst(%arg6 : memref<10112xi32, #tpu.memory_space<vmem>>)
    %dma_wait3A_39 = arith.constant 1 : i32
    %dma_wait3A_40 = tpu.memref_slice %arg2[%dma_wait3A_39, %min3A_5] : memref<2x320000xi32, #tpu.memory_space<hbm>> -> memref<1x10112xi32, #tpu.memory_space<hbm>>
    %dma_wait3A_41 = tpu.memref_squeeze %dma_wait3A_40 : memref<1x10112xi32, #tpu.memory_space<hbm>> -> memref<10112xi32, #tpu.memory_space<hbm>>
    %dma_wait3A_42 = tpu.memref_slice %arg2[%dma_wait3A_39, %min3A_5] : memref<2x320000xi32, #tpu.memory_space<hbm>> -> memref<1x10112xi32, #tpu.memory_space<hbm>>
    %dma_wait3A_43 = tpu.memref_squeeze %dma_wait3A_42 : memref<1x10112xi32, #tpu.memory_space<hbm>> -> memref<10112xi32, #tpu.memory_space<hbm>>
    tpu.wait_dma2 semaphore(%arg12 : memref<!tpu.dma_semaphore, #tpu.memory_space<semaphore_mem>>) src(%dma_wait3A_43 : memref<10112xi32, #tpu.memory_space<hbm>>) dst(%arg7 : memref<10112xi32, #tpu.memory_space<vmem>>)
    %barrier3A = arith.constant 0 : index
    tpu.barrier barrier_id(%barrier3A)
    %eq3A_44 = arith.constant 0 : i32
    %eq3A_45 = arith.cmpi eq, %arg0, %eq3A_44 : i32
    %eq3A_46 = arith.constant 15 : i32
    %eq3A_47 = arith.cmpi eq, %arg1, %eq3A_46 : i32
    %jit3A_48 = arith.constant 66 : i32
    %jit3A_49 = arith.constant 78 : i32
    %select_n3A_50 = arith.select %eq3A_47, %jit3A_48, %jit3A_49 : i32
    %jit3A_51 = arith.constant 79 : i32
    %select_n3A_52 = arith.select %eq3A_45, %jit3A_51, %select_n3A_50 : i32
    %while3A = arith.constant 0 : i32
    %while3A_53 = arith.constant 0 : i32
    %while3A_54 = arith.subi %select_n3A_52, %while3A_53 : i32
    %while3A_55 = arith.addi %while3A_53, %while3A_54 : i32
    %while3A_56 = arith.constant 1 : i32
    %while3A_57 = arith.divsi %while3A_54, %while3A_56 : i32
    %while3A_58 = arith.muli %while3A_57, %while3A_56 : i32
    %while3A_59 = arith.addi %while3A_53, %while3A_58 : i32
    %while3A_60 = arith.constant 1 : i32
    scf.for %while3A_72 = %while3A_53 to %while3A_59 step %while3A_60  : i32 {
      %add3A_73 = arith.addi %while3A_72, %select_n3A_23 : i32
      %mul3A_74 = arith.constant 128 : i32
      %mul3A_75 = arith.muli %add3A_73, %mul3A_74 : i32
      %dma_start3A_76 = tpu.memref_slice %arg6[%mul3A_75] : memref<10112xi32, #tpu.memory_space<vmem>> -> memref<128xi32, #tpu.memory_space<vmem>>
      %dma_start3A_77 = arith.constant 0 : i32
      %dma_start3A_78 = arith.constant 0 : i32
      %dma_start3A_79 = tpu.memref_slice %arg3[%dma_start3A_77, %dma_start3A_78] : memref<10000x128xf32, #tpu.memory_space<hbm>> -> memref<10000x128xf32, #tpu.memory_space<hbm>>
      tpu.enqueue_indirect_dma source(%dma_start3A_79 : memref<10000x128xf32, #tpu.memory_space<hbm>>) target(%arg8 : memref<128x128xf32, #tpu.memory_space<vmem>>) offsets(%dma_start3A_76 : memref<128xi32, #tpu.memory_space<vmem>>) semaphore(%arg10 : memref<!tpu.dma_semaphore, #tpu.memory_space<semaphore_mem>>)
      %dma_wait3A_80 = tpu.memref_slice %arg6[%mul3A_75] : memref<10112xi32, #tpu.memory_space<vmem>> -> memref<128xi32, #tpu.memory_space<vmem>>
      %dma_wait3A_81 = arith.constant 0 : i32
      %dma_wait3A_82 = arith.constant 0 : i32
      %dma_wait3A_83 = tpu.memref_slice %arg3[%dma_wait3A_81, %dma_wait3A_82] : memref<10000x128xf32, #tpu.memory_space<hbm>> -> memref<10000x128xf32, #tpu.memory_space<hbm>>
      tpu.wait_indirect_dma semaphore(%arg10 : memref<!tpu.dma_semaphore, #tpu.memory_space<semaphore_mem>>) src(%dma_wait3A_83 : memref<10000x128xf32, #tpu.memory_space<hbm>>) dst(%arg8 : memref<128x128xf32, #tpu.memory_space<vmem>>)
      %mul3A_84 = arith.constant 128 : i32
      %mul3A_85 = arith.muli %add3A_73, %mul3A_84 : i32
      "tpu.region"() ({
        %run_scoped3A = tpu.sem_alloc : memref<!tpu.dma_semaphore, #tpu.memory_space<semaphore_mem>>
        %dma_start3A_86 = tpu.memref_slice %arg7[%mul3A_85] : memref<10112xi32, #tpu.memory_space<vmem>> -> memref<128xi32, #tpu.memory_space<vmem>>
        %dma_start3A_87 = arith.constant 0 : i32
        %dma_start3A_88 = arith.constant 0 : i32
        %dma_start3A_89 = tpu.memref_slice %arg9[%dma_start3A_87, %dma_start3A_88] : memref<10112x128xf32, #tpu.memory_space<vmem_shared>> -> memref<10112x128xf32, #tpu.memory_space<vmem_shared>>
        tpu.enqueue_indirect_dma source(%arg8 : memref<128x128xf32, #tpu.memory_space<vmem>>) target(%dma_start3A_89 : memref<10112x128xf32, #tpu.memory_space<vmem_shared>>) offsets(%dma_start3A_86 : memref<128xi32, #tpu.memory_space<vmem>>) semaphore(%run_scoped3A : memref<!tpu.dma_semaphore, #tpu.memory_space<semaphore_mem>>) {add = true}
        %dma_wait3A_90 = tpu.memref_slice %arg7[%mul3A_85] : memref<10112xi32, #tpu.memory_space<vmem>> -> memref<128xi32, #tpu.memory_space<vmem>>
        %dma_wait3A_91 = arith.constant 0 : i32
        %dma_wait3A_92 = arith.constant 0 : i32
        %dma_wait3A_93 = tpu.memref_slice %arg9[%dma_wait3A_91, %dma_wait3A_92] : memref<10112x128xf32, #tpu.memory_space<vmem_shared>> -> memref<10112x128xf32, #tpu.memory_space<vmem_shared>>
        tpu.wait_indirect_dma semaphore(%run_scoped3A : memref<!tpu.dma_semaphore, #tpu.memory_space<semaphore_mem>>) src(%arg8 : memref<128x128xf32, #tpu.memory_space<vmem>>) dst(%dma_wait3A_93 : memref<10112x128xf32, #tpu.memory_space<vmem_shared>>)
        tpu.yield
      }) : () -> ()
    }
    %while3A_61 = arith.constant 1 : i32
    scf.for %while3A_72 = %while3A_59 to %while3A_55 step %while3A_61  : i32 {
      %add3A_73 = arith.addi %while3A_72, %select_n3A_23 : i32
      %mul3A_74 = arith.constant 128 : i32
      %mul3A_75 = arith.muli %add3A_73, %mul3A_74 : i32
      %dma_start3A_76 = tpu.memref_slice %arg6[%mul3A_75] : memref<10112xi32, #tpu.memory_space<vmem>> -> memref<128xi32, #tpu.memory_space<vmem>>
      %dma_start3A_77 = arith.constant 0 : i32
      %dma_start3A_78 = arith.constant 0 : i32
      %dma_start3A_79 = tpu.memref_slice %arg3[%dma_start3A_77, %dma_start3A_78] : memref<10000x128xf32, #tpu.memory_space<hbm>> -> memref<10000x128xf32, #tpu.memory_space<hbm>>
      tpu.enqueue_indirect_dma source(%dma_start3A_79 : memref<10000x128xf32, #tpu.memory_space<hbm>>) target(%arg8 : memref<128x128xf32, #tpu.memory_space<vmem>>) offsets(%dma_start3A_76 : memref<128xi32, #tpu.memory_space<vmem>>) semaphore(%arg10 : memref<!tpu.dma_semaphore, #tpu.memory_space<semaphore_mem>>)
      %dma_wait3A_80 = tpu.memref_slice %arg6[%mul3A_75] : memref<10112xi32, #tpu.memory_space<vmem>> -> memref<128xi32, #tpu.memory_space<vmem>>
      %dma_wait3A_81 = arith.constant 0 : i32
      %dma_wait3A_82 = arith.constant 0 : i32
      %dma_wait3A_83 = tpu.memref_slice %arg3[%dma_wait3A_81, %dma_wait3A_82] : memref<10000x128xf32, #tpu.memory_space<hbm>> -> memref<10000x128xf32, #tpu.memory_space<hbm>>
      tpu.wait_indirect_dma semaphore(%arg10 : memref<!tpu.dma_semaphore, #tpu.memory_space<semaphore_mem>>) src(%dma_wait3A_83 : memref<10000x128xf32, #tpu.memory_space<hbm>>) dst(%arg8 : memref<128x128xf32, #tpu.memory_space<vmem>>)
      %mul3A_84 = arith.constant 128 : i32
      %mul3A_85 = arith.muli %add3A_73, %mul3A_84 : i32
      "tpu.region"() ({
        %run_scoped3A = tpu.sem_alloc : memref<!tpu.dma_semaphore, #tpu.memory_space<semaphore_mem>>
        %dma_start3A_86 = tpu.memref_slice %arg7[%mul3A_85] : memref<10112xi32, #tpu.memory_space<vmem>> -> memref<128xi32, #tpu.memory_space<vmem>>
        %dma_start3A_87 = arith.constant 0 : i32
        %dma_start3A_88 = arith.constant 0 : i32
        %dma_start3A_89 = tpu.memref_slice %arg9[%dma_start3A_87, %dma_start3A_88] : memref<10112x128xf32, #tpu.memory_space<vmem_shared>> -> memref<10112x128xf32, #tpu.memory_space<vmem_shared>>
        tpu.enqueue_indirect_dma source(%arg8 : memref<128x128xf32, #tpu.memory_space<vmem>>) target(%dma_start3A_89 : memref<10112x128xf32, #tpu.memory_space<vmem_shared>>) offsets(%dma_start3A_86 : memref<128xi32, #tpu.memory_space<vmem>>) semaphore(%run_scoped3A : memref<!tpu.dma_semaphore, #tpu.memory_space<semaphore_mem>>) {add = true}
        %dma_wait3A_90 = tpu.memref_slice %arg7[%mul3A_85] : memref<10112xi32, #tpu.memory_space<vmem>> -> memref<128xi32, #tpu.memory_space<vmem>>
        %dma_wait3A_91 = arith.constant 0 : i32
        %dma_wait3A_92 = arith.constant 0 : i32
        %dma_wait3A_93 = tpu.memref_slice %arg9[%dma_wait3A_91, %dma_wait3A_92] : memref<10112x128xf32, #tpu.memory_space<vmem_shared>> -> memref<10112x128xf32, #tpu.memory_space<vmem_shared>>
        tpu.wait_indirect_dma semaphore(%run_scoped3A : memref<!tpu.dma_semaphore, #tpu.memory_space<semaphore_mem>>) src(%arg8 : memref<128x128xf32, #tpu.memory_space<vmem>>) dst(%dma_wait3A_93 : memref<10112x128xf32, #tpu.memory_space<vmem_shared>>)
        tpu.yield
      }) : () -> ()
    }
    %barrier3A_62 = arith.constant 0 : index
    tpu.barrier barrier_id(%barrier3A_62)
    %mul3A_63 = arith.constant 624 : i32
    %mul3A_64 = arith.muli %arg1, %mul3A_63 : i32
    %lt3A = arith.constant 15 : i32
    %lt3A_65 = arith.cmpi slt, %arg1, %lt3A : i32
    %convert_element_type3A = arith.extui %lt3A_65 : i1 to i32
    %cond3A = arith.constant 0 : i32
    %cond3A_66 = arith.cmpi ne, %convert_element_type3A, %cond3A : i32
    scf.if %cond3A_66 {
      "tpu.region"() ({
        %run_scoped3A = tpu.sem_alloc : memref<!tpu.dma_semaphore, #tpu.memory_space<semaphore_mem>>
        %dma_start3A_72 = arith.constant 0 : i32
        %dma_start3A_73 = tpu.memref_slice %arg5[%arg0, %mul3A_64, %dma_start3A_72] : memref<2x10000x128xf32, #tpu.memory_space<hbm>> -> memref<1x624x128xf32, #tpu.memory_space<hbm>>
        %dma_start3A_74 = tpu.memref_squeeze %dma_start3A_73 : memref<1x624x128xf32, #tpu.memory_space<hbm>> -> memref<624x128xf32, #tpu.memory_space<hbm>>
        %dma_start3A_75 = arith.constant 0 : i32
        %dma_start3A_76 = tpu.memref_slice %arg9[%mul3A_64, %dma_start3A_75] : memref<10112x128xf32, #tpu.memory_space<vmem_shared>> -> memref<624x128xf32, #tpu.memory_space<vmem_shared>>
        tpu.enqueue_dma source(%dma_start3A_76 : memref<624x128xf32, #tpu.memory_space<vmem_shared>>) target(%dma_start3A_74 : memref<624x128xf32, #tpu.memory_space<hbm>>) target_semaphore(%run_scoped3A : memref<!tpu.dma_semaphore, #tpu.memory_space<semaphore_mem>>)
        %dma_wait3A_77 = arith.constant 0 : i32
        %dma_wait3A_78 = tpu.memref_slice %arg5[%arg0, %mul3A_64, %dma_wait3A_77] : memref<2x10000x128xf32, #tpu.memory_space<hbm>> -> memref<1x624x128xf32, #tpu.memory_space<hbm>>
        %dma_wait3A_79 = tpu.memref_squeeze %dma_wait3A_78 : memref<1x624x128xf32, #tpu.memory_space<hbm>> -> memref<624x128xf32, #tpu.memory_space<hbm>>
        %dma_wait3A_80 = arith.constant 0 : i32
        %dma_wait3A_81 = tpu.memref_slice %arg9[%mul3A_64, %dma_wait3A_80] : memref<10112x128xf32, #tpu.memory_space<vmem_shared>> -> memref<624x128xf32, #tpu.memory_space<vmem_shared>>
        tpu.wait_dma2 semaphore(%run_scoped3A : memref<!tpu.dma_semaphore, #tpu.memory_space<semaphore_mem>>) src(%dma_wait3A_81 : memref<624x128xf32, #tpu.memory_space<vmem_shared>>) dst(%dma_wait3A_79 : memref<624x128xf32, #tpu.memory_space<hbm>>)
        tpu.yield
      }) : () -> ()
    } else {
    }
    %eq3A_67 = arith.constant 15 : i32
    %eq3A_68 = arith.cmpi eq, %arg1, %eq3A_67 : i32
    %convert_element_type3A_69 = arith.extui %eq3A_68 : i1 to i32
    %cond3A_70 = arith.constant 0 : i32
    %cond3A_71 = arith.cmpi ne, %convert_element_type3A_69, %cond3A_70 : i32
    scf.if %cond3A_71 {
      "tpu.region"() ({
        %run_scoped3A = tpu.sem_alloc : memref<!tpu.dma_semaphore, #tpu.memory_space<semaphore_mem>>
        %dma_start3A_72 = arith.constant 9360 : i32
        %dma_start3A_73 = arith.constant 0 : i32
        %dma_start3A_74 = tpu.memref_slice %arg5[%arg0, %dma_start3A_72, %dma_start3A_73] : memref<2x10000x128xf32, #tpu.memory_space<hbm>> -> memref<1x640x128xf32, #tpu.memory_space<hbm>>
        %dma_start3A_75 = tpu.memref_squeeze %dma_start3A_74 : memref<1x640x128xf32, #tpu.memory_space<hbm>> -> memref<640x128xf32, #tpu.memory_space<hbm>>
        %dma_start3A_76 = arith.constant 9360 : i32
        %dma_start3A_77 = arith.constant 0 : i32
        %dma_start3A_78 = tpu.memref_slice %arg9[%dma_start3A_76, %dma_start3A_77] : memref<10112x128xf32, #tpu.memory_space<vmem_shared>> -> memref<640x128xf32, #tpu.memory_space<vmem_shared>>
        tpu.enqueue_dma source(%dma_start3A_78 : memref<640x128xf32, #tpu.memory_space<vmem_shared>>) target(%dma_start3A_75 : memref<640x128xf32, #tpu.memory_space<hbm>>) target_semaphore(%run_scoped3A : memref<!tpu.dma_semaphore, #tpu.memory_space<semaphore_mem>>)
        %dma_wait3A_79 = arith.constant 9360 : i32
        %dma_wait3A_80 = arith.constant 0 : i32
        %dma_wait3A_81 = tpu.memref_slice %arg5[%arg0, %dma_wait3A_79, %dma_wait3A_80] : memref<2x10000x128xf32, #tpu.memory_space<hbm>> -> memref<1x640x128xf32, #tpu.memory_space<hbm>>
        %dma_wait3A_82 = tpu.memref_squeeze %dma_wait3A_81 : memref<1x640x128xf32, #tpu.memory_space<hbm>> -> memref<640x128xf32, #tpu.memory_space<hbm>>
        %dma_wait3A_83 = arith.constant 9360 : i32
        %dma_wait3A_84 = arith.constant 0 : i32
        %dma_wait3A_85 = tpu.memref_slice %arg9[%dma_wait3A_83, %dma_wait3A_84] : memref<10112x128xf32, #tpu.memory_space<vmem_shared>> -> memref<640x128xf32, #tpu.memory_space<vmem_shared>>
        tpu.wait_dma2 semaphore(%run_scoped3A : memref<!tpu.dma_semaphore, #tpu.memory_space<semaphore_mem>>) src(%dma_wait3A_85 : memref<640x128xf32, #tpu.memory_space<vmem_shared>>) dst(%dma_wait3A_82 : memref<640x128xf32, #tpu.memory_space<hbm>>)
        tpu.yield
      }) : () -> ()
    } else {
    }
    return
  }
}

module attributes {stable_mosaic.version = 14 : i64} {
  func.func @_tc_combine_body(%arg0: i32, %arg1: memref<2000x128xf32, #tpu.memory_space<vmem>>, %arg2: memref<2x2000x128xf32, #tpu.memory_space<vmem>>, %arg3: memref<128x128xf32, #tpu.memory_space<vmem>>, %arg4: memref<128x128xf32, #tpu.memory_space<vmem>>, %arg5: memref<1x128xf32, #tpu.memory_space<vmem>>, %arg6: memref<2000x128xf32, #tpu.memory_space<vmem>>) attributes {dimension_semantics = [#tpu.dimension_semantics<arbitrary>], iteration_bounds = array<i64: 5>, scalar_prefetch = 0 : i64, scratch_operands = 0 : i64, tpu.core_type = #tpu.core_type<tc>, window_params = [{transform_indices = @transform_0, window_bounds = array<i64: 2000, 128>}, {transform_indices = @transform_1, window_bounds = array<i64: 2, 2000, 128>}, {pipeline_mode = #tpu.pipeline_mode<synchronous>, transform_indices = @transform_2, window_bounds = array<i64: 128, 128>}, {pipeline_mode = #tpu.pipeline_mode<synchronous>, transform_indices = @transform_3, window_bounds = array<i64: 128, 128>}, {pipeline_mode = #tpu.pipeline_mode<synchronous>, transform_indices = @transform_4, window_bounds = array<i64: 1, 128>}, {transform_indices = @transform_5, window_bounds = array<i64: 2000, 128>}]} {
    %get3A = arith.constant 0 : index
    %get3A_0 = arith.constant 0 : index
    %get3A_1 = arith.constant 0 : index
    %get3A_2 = vector.load %arg2[%get3A, %get3A_0, %get3A_1] : memref<2x2000x128xf32, #tpu.memory_space<vmem>>, vector<1x2000x128xf32>
    %get3A_3 = vector.shape_cast %get3A_2 : vector<1x2000x128xf32> to vector<2000x128xf32>
    %get3A_4 = arith.constant 1 : index
    %get3A_5 = arith.constant 0 : index
    %get3A_6 = arith.constant 0 : index
    %get3A_7 = vector.load %arg2[%get3A_4, %get3A_5, %get3A_6] : memref<2x2000x128xf32, #tpu.memory_space<vmem>>, vector<1x2000x128xf32>
    %get3A_8 = vector.shape_cast %get3A_7 : vector<1x2000x128xf32> to vector<2000x128xf32>
    %add3A = arith.addf %get3A_3, %get3A_8 : vector<2000x128xf32>
    %get3A_9 = arith.constant 0 : index
    %get3A_10 = arith.constant 0 : index
    %get3A_11 = vector.load %arg1[%get3A_9, %get3A_10] : memref<2000x128xf32, #tpu.memory_space<vmem>>, vector<2000x128xf32>
    %get3A_12 = arith.constant 0 : index
    %get3A_13 = arith.constant 0 : index
    %get3A_14 = vector.load %arg3[%get3A_12, %get3A_13] : memref<128x128xf32, #tpu.memory_space<vmem>>, vector<128x128xf32>
    %dot_general3A = arith.constant dense<0.000000e+00> : vector<2000x128xf32>
    %dot_general3A_15 = tpu.matmul %get3A_11, %get3A_14, %dot_general3A {dimension_numbers = #tpu.dot_dimension_numbers<[1], [0], [0], [1], [0, 0, 1, 1], [], []>, transpose_lhs_hint = false} : vector<2000x128xf32>, vector<128x128xf32>, vector<2000x128xf32> -> vector<2000x128xf32>
    %get3A_16 = arith.constant 0 : index
    %get3A_17 = arith.constant 0 : index
    %get3A_18 = vector.load %arg4[%get3A_16, %get3A_17] : memref<128x128xf32, #tpu.memory_space<vmem>>, vector<128x128xf32>
    %dot_general3A_19 = arith.constant dense<0.000000e+00> : vector<2000x128xf32>
    %dot_general3A_20 = tpu.matmul %add3A, %get3A_18, %dot_general3A_19 {dimension_numbers = #tpu.dot_dimension_numbers<[1], [0], [0], [1], [0, 0, 1, 1], [], []>, transpose_lhs_hint = false} : vector<2000x128xf32>, vector<128x128xf32>, vector<2000x128xf32> -> vector<2000x128xf32>
    %add3A_21 = arith.addf %dot_general3A_15, %dot_general3A_20 : vector<2000x128xf32>
    %get3A_22 = arith.constant 0 : index
    %get3A_23 = arith.constant 0 : index
    %get3A_24 = vector.load %arg5[%get3A_22, %get3A_23] : memref<1x128xf32, #tpu.memory_space<vmem>>, vector<1x128xf32>
    %add3A_25 = vector.broadcast %get3A_24 : vector<1x128xf32> to vector<2000x128xf32>
    %add3A_26 = arith.addf %add3A_21, %add3A_25 : vector<2000x128xf32>
    %max3A = arith.constant 0.000000e+00 : f32
    %max3A_27 = vector.broadcast %max3A : f32 to vector<2000x128xf32>
    %max3A_28 = arith.maximumf %add3A_26, %max3A_27 : vector<2000x128xf32>
    %swap3A = arith.constant 0 : index
    %swap3A_29 = arith.constant 0 : index
    %swap3A_30 = vector.load %arg6[%swap3A, %swap3A_29] : memref<2000x128xf32, #tpu.memory_space<vmem>>, vector<2000x128xf32>
    tpu.vector_store %arg6[%swap3A, %swap3A_29], %max3A_28 {strides = array<i32>} : memref<2000x128xf32, #tpu.memory_space<vmem>>, vector<2000x128xf32>,
    return
  }
  func.func @transform_0(%arg0: i32) -> (i32, i32) {
    %c0_i32 = arith.constant 0 : i32
    %c0_i32_0 = arith.constant 0 : i32
    return %arg0, %c0_i32 : i32, i32
  }
  func.func @transform_1(%arg0: i32) -> (i32, i32, i32) {
    %c0_i32 = arith.constant 0 : i32
    %c0_i32_0 = arith.constant 0 : i32
    %c0_i32_1 = arith.constant 0 : i32
    return %c0_i32, %arg0, %c0_i32_0 : i32, i32, i32
  }
  func.func @transform_2(%arg0: i32) -> (i32, i32) {
    %c0_i32 = arith.constant 0 : i32
    %c0_i32_0 = arith.constant 0 : i32
    %c0_i32_1 = arith.constant 0 : i32
    return %c0_i32, %c0_i32_0 : i32, i32
  }
  func.func @transform_3(%arg0: i32) -> (i32, i32) {
    %c0_i32 = arith.constant 0 : i32
    %c0_i32_0 = arith.constant 0 : i32
    %c0_i32_1 = arith.constant 0 : i32
    return %c0_i32, %c0_i32_0 : i32, i32
  }
  func.func @transform_4(%arg0: i32) -> (i32, i32) {
    %c0_i32 = arith.constant 0 : i32
    %c0_i32_0 = arith.constant 0 : i32
    %c0_i32_1 = arith.constant 0 : i32
    return %c0_i32, %c0_i32_0 : i32, i32
  }
  func.func @transform_5(%arg0: i32) -> (i32, i32) {
    %c0_i32 = arith.constant 0 : i32
    %c0_i32_0 = arith.constant 0 : i32
    return %arg0, %c0_i32 : i32, i32
  }
}

</mosaic_0001>

<sc_bundles>
// kernel: kernel.4.cloned.1.call-start
scs
__scs_entry_jumppad:
0x0: {  	(pc) =	sbr.rel $0x88, $3  }
0x1: {  	(tag) =	ssettag $0x0;
	lr =	simm.s32 $0x1  }
0x2: {  	[smem:$0x3F9C] =	sst lr;
	_ =	strace $0xD0000000  }
0x3: {  	_ = 	snop  }
0x4: {  	_ = 	snop  }
0x5: {  	_ = 	snop  }
0x6: {  	_ = 	snop  }
0x7: {  	_ = 	snop  }
__scs_overlays_trampoline_lowered:
0x8: {  	[smem:$0x3FAB] =	sst s0  }
0x9: {  	[smem:$0x3FAC] =	sst s1  }
0xa: {  	[smem:$0x3FAD] =	sst s2  }
0xb: {  	[smem:$0x3FAE] =	sst s3  }
0xc: {  	[smem:$0x3FAF] =	sst s4  }
0xd: {  	[smem:$0x3FB0] =	sst s5  }
0xe: {  	[smem:$0x3FB1] =	sst s6  }
0xf: {  	[smem:$0x3FB2] =	sst s7  }
0x10: {  	[smem:$0x3FB3] =	sst s8  }
0x11: {  	[smem:$0x3FB4] =	sst s9;
	s0 =	simm.s32 @!p0 $0x0  }
0x12: {  	s1 =	sld [smem:$0x3F9A];
	s0 =	simm.s32 @p0 $0x1  }
0x13: {  	[smem:$0x3FB5] =	sst s0;
	s0 =	simm.s32 @!p1 $0x0  }
0x14: {  	s2 =	sld [smem:$0x3F99];
	s0 =	simm.s32 @p1 $0x1  }
0x15: {  	[smem:$0x3FB6] =	sst s0;
	s0 =	simm.s32 @!p2 $0x0  }
0x16: {  	s3 =	sld [smem:$0x3FDB];
	s0 =	simm.s32 @p2 $0x1  }
0x17: {  	s4 =	simm.s32 $0x1BF5;
	[smem:$0x3FB8] =	sst s0  }
0x18: {  	s0 =	sld [smem:$0x3F9B];
	_ =	swait.ge [sflag:s4], $0x0  }
0x19: {  	s7 =	sld [smem:$0x3F9C]  }
0x1a: {  	s8 =	sadd.s32 $0xFFFFE003, lr  }
0x1b: {  	s9 =	sadd.s32 $0xFFFFFEF7, lr;
	s5 =	simm.s32 $0xFFFFFFFF;
	p2 =	slt.u32 s8, $0xFFFFF086  }
0x1c: {  	p1 =	slt.u32 s9, $0xF7A;
	s5 =	simm.s32 @!p2 $0x0  }
0x1d: {  	s5 =	simm.s32 @p1 $0x1;
	p0 =	seq.s32 s7, s2  }
0x1e: {  	s7 =	smul.u32 @!p0 $0xF7A, s2;
	p2 =	seq.s32 @!p0 s5, $0x0  }
0x1f: {  	s9 =	smul.u32 $0xF7A, s1;
	s8 =	simm.s32 @!p0 $0x1BF5;
	p2 =	por !p2, p0  }
0x20: {  	[sflag:s8] =	ssyncset.s32 @!p0 $0xFFFFF086;
	s6 =	sadd.s32 @!p0 s3, s7;
	s7 =	simm.s32 @!p0 $0x108  }
0x21: {  	s3 =	sadd.s32 s3, s9;
	s6 =	sadd.s32 @!p0 $0x88, s6;
	s7 =	simm.s32 @p2 $0x1082  }
0x22: {  	[simem:s7], [sflag:s8] =	dma.local @!p0 [hbm:s6], $0xF7A  }
0x23: {  	s9 =	sor.u32 $0xD0000000, s2;
	s6 =	simm.s32 $0x108;
	_ =	swait.ge @!p0 [sflag:s8], $0x0  }
0x24: {  	s3 =	sadd.s32 $0x88, s3;
	s6 =	simm.s32 @!p1 $0x1082;
	[sflag:s4] =	ssyncset.s32 $0xFFFFF086  }
0x25: {  	[simem:s6], [sflag:s4] =	dma.local [hbm:s3], $0xF7A  }
0x26: {  	[smem:$0x3F9C] =	sst s1;
	(tag) =	ssettag s2;
	_ =	strace s9  }
0x27: {  	s1 =	sld [smem:$0x3FAC]  }
0x28: {  	s2 =	sld [smem:$0x3FAD]  }
0x29: {  	s4 =	sld [smem:$0x3FAF]  }
0x2a: {  	p0 =	seq.s32 s5, $0x0;
	s5 =	sld [smem:$0x3FB0]  }
0x2b: {  	s6 =	sld [smem:$0x3FB1]  }
0x2c: {  	s7 =	sld [smem:$0x3FB2]  }
0x2d: {  	s3 =	simm.s32 $0x108;
	s8 =	sld [smem:$0x3FB3]  }
0x2e: {  	s3 =	simm.s32 @!p0 $0x1082;
	s9 =	sld [smem:$0x3FB4]  }
0x2f: {  	lr =	sadd.s32 s0, s3;
	s0 =	sld [smem:$0x3FAB]  }
0x30: {  	s3 =	sld [smem:$0x3FAE]  }
0x31: {  	[smem:$0x3FB7] =	sst s10  }
0x32: {  	s10 =	sld [smem:$0x3FB5];
	_ =	sdelay $0x3  }
0x33: {  	p0 =	seq.s32 s10, $0x1;
	s10 =	sld [smem:$0x3FB7];
	_ =	sdelay $0x3  }
0x34: {  	[smem:$0x3FB7] =	sst s10  }
0x35: {  	s10 =	sld [smem:$0x3FB6];
	_ =	sdelay $0x3  }
0x36: {  	p1 =	seq.s32 s10, $0x1;
	s10 =	sld [smem:$0x3FB7];
	_ =	sdelay $0x3  }
0x37: {  	[smem:$0x3FB7] =	sst s10  }
0x38: {  	s10 =	sld [smem:$0x3FB8]  }
0x39: {  	_ = 	snop;
	(pc) =	sbr.ind lr, $3  }
0x3a: {  	_ = 	snop  }
0x3b: {  	_ = 	snop  }
0x3c: {  	p2 =	seq.s32 s10, $0x1;
	s10 =	sld [smem:$0x3FB7]  }
0x3d: {  	_ =	shalt  }
0x3e: {  	_ =	shalt  }
0x3f: {  	_ =	shalt  }
0x40: {  	_ =	shalt  }
0x41: {  	_ =	shalt  }
0x42: {  	_ =	shalt  }
0x43: {  	_ =	shalt  }
0x44: {  	_ =	shalt  }
0x45: {  	_ =	shalt  }
0x46: {  	_ =	shalt  }
0x47: {  	_ =	shalt  }
0x48: {  	_ =	shalt  }
0x49: {  	_ =	shalt  }
0x4a: {  	_ =	shalt  }
0x4b: {  	_ =	shalt  }
0x4c: {  	_ =	shalt  }
0x4d: {  	_ =	shalt  }
0x4e: {  	_ =	shalt  }
0x4f: {  	_ =	shalt  }
0x50: {  	_ =	shalt  }
0x51: {  	_ =	shalt  }
0x52: {  	_ =	shalt  }
0x53: {  	_ =	shalt  }
0x54: {  	_ =	shalt  }
0x55: {  	_ =	shalt  }
0x56: {  	_ =	shalt  }
0x57: {  	_ =	shalt  }
0x58: {  	_ =	shalt  }
0x59: {  	_ =	shalt  }
0x5a: {  	_ =	shalt  }
0x5b: {  	_ =	shalt  }
0x5c: {  	_ =	shalt  }
0x5d: {  	_ =	shalt  }
0x5e: {  	_ =	shalt  }
0x5f: {  	_ =	shalt  }
0x60: {  	_ =	shalt  }
0x61: {  	_ =	shalt  }
0x62: {  	_ =	shalt  }
0x63: {  	_ =	shalt  }
0x64: {  	_ =	shalt  }
0x65: {  	_ =	shalt  }
0x66: {  	_ =	shalt  }
0x67: {  	_ =	shalt  }
0x68: {  	_ =	shalt  }
0x69: {  	_ =	shalt  }
0x6a: {  	_ =	shalt  }
0x6b: {  	_ =	shalt  }
0x6c: {  	_ =	shalt  }
0x6d: {  	_ =	shalt  }
0x6e: {  	_ =	shalt  }
0x6f: {  	_ =	shalt  }
0x70: {  	_ =	shalt  }
0x71: {  	_ =	shalt  }
0x72: {  	_ =	shalt  }
0x73: {  	_ =	shalt  }
0x74: {  	_ =	shalt  }
0x75: {  	_ =	shalt  }
0x76: {  	_ =	shalt  }
0x77: {  	_ =	shalt  }
0x78: {  	_ =	shalt  }
0x79: {  	_ =	shalt  }
0x7a: {  	_ =	shalt  }
0x7b: {  	_ =	shalt  }
0x7c: {  	_ =	shalt  }
0x7d: {  	_ =	shalt  }
0x7e: {  	_ =	shalt  }
0x7f: {  	_ =	shalt  }
0x80: {  	_ =	shalt  }
0x81: {  	_ =	shalt  }
0x82: {  	_ =	shalt  }
0x83: {  	_ =	shalt  }
0x84: {  	_ =	shalt  }
0x85: {  	_ =	shalt  }
0x86: {  	_ =	shalt  }
0x87: {  	_ =	shalt  }
.Lfunc_end0:
.L_simem_size_0:
called_computation_lowered:
.L_overlay_start_0:
0x88: {  	s2 =	sld [smem:$0x3FD9]  }
0x89: {  	s3 =	sld [smem:$0x3FFE];
	_ =	sdelay $0x1  }
0x8a: {  	s1 =	srdreg.scid  }
0x8b: {  	s0 =	sand.u32 $0x1, s1  }
0x8c: {  	s17 =	sshll.u32 s0, $0xA;
	s2 =	sadd.s32 s3, s2  }
0x8d: {  	s2 =	sadd.s32 s2, s17  }
0x8e: {  	[smem:$0x3FC3] =	sst s2  }
0x8f: {  	_ = 	snop  }
0x90: {  	s2 =	sld [smem:$0x3FC9]  }
0x91: {  	s18 =	sld [smem:$0x3FC8]  }
0x92: {  	s4 =	sld [smem:$0x3FD0];
	(tm) =	ssettm $0x1  }
0x93: {  	s5 =	sld [smem:$0x3FFB];
	_ =	sdelay $0x3  }
0x94: {  	_ =	strace s5  }
0x95: {  	s5 =	sld [smem:$0x3FFC];
	_ =	sdelay $0x3  }
0x96: {  	_ =	strace s5  }
0x97: {  	s5 =	sld [smem:$0x3FFD];
	_ =	sdelay $0x3  }
0x98: {  	_ =	strace s5  }
0x99: {  	_ =	strace $0x8FFFFFFF  }
0x9a: {  	s19 =	sld [smem:$0x3FDB];
	_ =	sdelay $0x1  }
0x9b: {  	s6 =	simm.s32 $_scs_section_size  }
0x9c: {  	s7 =	simm.s32 $_size__tile_overlayer_lowered;
	s8 =	simm.s32 $_tile_overlayer_lowered  }
0x9d: {  	s22 =	simm.s32 $0x1BFF;
	s21 =	sshll.u32 s8, $0x1;
	s5 =	sadd.s32 s6, s19  }
0x9e: {  	s9 =	simm.s32 $0x0;
	s20 =	sshll.u32 s7, $0x1;
	s7 =	sadd.s32 s21, s5  }
0x9f: {  	[timem:s9], [sflag:s22] =	dma.local [hbm:s7], s20  }
0xa0: {  	_ =	swait.ge [sflag:s22], s20  }
0xa1: {  	s6 =	ssub.s32 $0x0, s20;
	[sflag:s22] =	ssyncset.done $0x0  }
0xa2: {  	[sflag:s22] =	ssyncadd.s32 s6;
	_ =	sdelay $0x1  }
0xa3: {  	s23 =	simm.s32 $0x1B8B  }
0xa4: {  	_ =	swait.ge [sflag:s23], $0x1  }
0xa5: {  	[sflag:s23] =	ssyncset.done $0x0  }
0xa6: {  	s25 =	simm.s32 $0x1B8E;
	s24 =	sld [smem:$0x3FFE];
	[sflag:s23] =	ssyncadd.s32 $0xFFFFFFFF  }
0xa7: {  	s26 =	simm.s32 $execute0_lowered;
	[smem:$0x3FD2] =	sst s25  }
0xa8: {  	s7 =	sshll.u32 s26, $0x1;
	_ =	strace $0x80000046;
	[dreg:$0x1] =	wrdreg $0xFFFFFFFF  }
0xa9: {  	s28 =	simm.s32 $_size_execute0_lowered;
	s5 =	sadd.s32 s5, s7;
	[dreg:$0x0] =	wrdreg $0x0  }
0xaa: {  	s7 =	sshll.u32 s28, $0x1;
	[dreg:$0x2] =	wrdreg s5  }
0xab: {  	[dreg:$0x3] =	wrdreg s7  }
0xac: {  	[dreg:$0x4] =	wrdreg $0xC0  }
0xad: {  	_ =	task [dreg:s9], $0x5FFFF  }
0xae: {  	[dreg:$0x1] =	wrdreg $0xFFFFFFFF  }
0xaf: {  	[dreg:$0x0] =	wrdreg $0x60  }
0xb0: {  	[dreg:$0x2] =	wrdreg s18  }
0xb1: {  	[dreg:$0x3] =	wrdreg s2  }
0xb2: {  	[dreg:$0x4] =	wrdreg s4  }
0xb3: {  	[dreg:$0x5] =	wrdreg s24  }
0xb4: {  	[dreg:$0x6] =	wrdreg $0x8F000  }
0xb5: {  	[dreg:$0x7] =	wrdreg $0x9  }
0xb6: {  	_ =	task.clear_ibuf [dreg:s9], $0x8FFFF;
	_ =	strace $0x90000046  }
0xb7: {  	s29 =	simm.s32 $0x9;
	_ =	strace $0x80000048  }
0xb8: {  	_ =	swait.ge [sflag:s29], $0x1  }
0xb9: {  	[sflag:s29] =	ssyncadd.s32 $0xFFFFFFFF  }
0xba: {  	_ =	strace $0x90000048  }
0xbb: {  	_ =	sfence  }
0xbc: {  	s30 =	sld [smem:$0x0];
	_ =	sdelay $0x2  }
0xbd: {  	s31 =	sshll.u32 s1, $0xD;
	s1 =	sshrl.u32 s1, $0x2  }
0xbe: {  	s3 =	sand.u32 $0x4000, s31;
	s1 =	sadd.s32 s1, s30  }
0xbf: {  	s0 =	sor.u32 s3, s0;
	s1 =	sshll.u32 s1, $0x11  }
0xc0: {  	s0 =	sor.u32 s1, s0  }
0xc1: {  	s0 =	sadd.s32 $0x8F2B, s0  }
0xc2: {  	[sflag:s0] =	ssyncadd.remote.s32 $0x1  }
0xc3: {  	_ =	sfence.sel $0xFFFF  }
0xc4: {  	[dreg:$0x0] =	wrdreg $0xFFFFFFFF;
	(pc) =	sbr.abs _section_cstart, $3  }
0xc5: {  	[dreg:$0x1] =	wrdreg $0xFFFFFFFF  }
0xc6: {  	_ =	task.clear_ibuf [dreg:s9], $0x2FFFF;
	_ =	strace $0x9FFFFFFF  }
0xc7: {  	(tm) =	ssettm $0x7FFFFFFF  }
tec
execute0_lowered:
.L_overlay_start_1:
0x0: {  	(tag) =	ssettag $0x1  }
0x1: {  	s6 =	rddreg [dreg:$0x0]  }
0x2: {  	s1 =	rddreg [dreg:$0x1]  }
0x3: {  	s3 =	rddreg [dreg:$0x2]  }
0x4: {  	s7 =	rddreg [dreg:$0x3]  }
0x5: {  	s4 =	rddreg [dreg:$0x4]  }
0x6: {  	s0 =	rddreg [dreg:$0x5];
	s2 =	stileid.u32  }
0x7: {  	s5 =	simm.s32 $0x0;
	s8 =	srdreg.scid;
	s17 =	simm.s32 $0x2780  }
0x8: {  	s19 =	simm.s32 $0x4;
	s20 =	simm.s32 $0x2;
	s9 =	smul.u32 $0x2700, s2  }
0x9: {  	s21 =	simm.s32 $0x3;
	[smem:$0x7FF] =	sst s5;
	s10 =	smul.u32 $0x2780, s2  }
0xa: {  	s8 =	sand.u32 $0x1, s8;
	s12 =	sadd.s32 $0xE00, s7;
	s24 =	smul.u32 $0x4F000, s2  }
0xb: {  	s28 =	smul.u32 $0x13800, s2;
	s29 =	sshll.u32 s2, $0x6;
	p0 =	seq.s32 s2, $0xF  }
0xc: {  	s31 =	smul.u32 $0x4E000, s2;
	_ =	strace $0x80000047;
	p1 =	seq.s32 s8, $0x0  }
0xd: {  	s22 =	ssub.s32 $0x2, s8;
	s15 =	smul.u32 $0x138800, s8;
	s8 =	simm.s32 $0x42  }
0xe: {  	s11 =	sadd.s32 $0x27800, s9;
	s23 =	sshrl.u32 s22, $0x1;
	s26 =	sshrl.u32 s24, $0x2  }
0xf: {  	s9 =	sor.u32 $0x1C04, s29;
	s8 =	simm.s32 @!p0 $0x4E;
	s24 =	sadd.s32 $0x124800, s4  }
0x10: {  	s11 =	smov.u32 @p1 s10;
	s14 =	ssub.s32 s22, s23;
	s18 =	sadd.s32 s26, s4  }
0x11: {  	s16 =	sadd.s32 s28, s15;
	s8 =	simm.s32 @p1 $0x4F;
	s15 =	sshrl.u32 s15, $0x3  }
0x12: {  	s22 =	simm.s32 $0x4F00;
	s23 =	simm.s32 $0x1;
	s24 =	sshrl.u32 @p0 s24, $0x3  }
0x13: {  	s26 =	simm.s32 $0x0;
	s13 =	smin.u32 s11, $0x4BA80;
	s30 =	sshrl.u32 s16, $0x3  }
0x14: {  	s11 =	sshll.u32 s11, $0x2;
	s16 =	sshrl.u32 s31, $0x2;
	s18 =	sshrl.u32 s18, $0x3  }
0x15: {  	s25 =	sshrl.u32 s13, $0x2;
	s10 =	sadd.s32 s12, s30;
	s13 =	sshll.u32 s13, $0x2  }
0x16: {  	s12 =	sadd.s32 s12, s15;
	s15 =	simm.s32 $0x80;
	s6 =	sadd.s32 s6, s25  }
0x17: {  	s13 =	ssub.s32 s11, s13;
	s25 =	sadd.s32 s16, s4;
	s11 =	sadd.s32 $0x24900, s12  }
0x18: {  	s16 =	simm.s32 $0x100;
	s7 =	sadd.s32 $0x10, s6;
	s12 =	sshra.s32 s13, $0x2  }
0x19: {  	s13 =	smax.u32 s14, $0x1;
	s25 =	sshrl.u32 @!p0 s25, $0x3;
	s14 =	sadd.s32 $0x2780, s12  }
.LBB2_1:
0x1a: {  	[tilespmem:s5], [sflag:$0x2] =	stream.strided.gather [hbm4b:s6+s15], $0x2780, s16, s15, $0x38;
	[tilespmem:$0x1CB00] =	vst v63  }
0x1b: {  	_ = 	snop  }
0x1c: {  	[tilespmem:s17], [sflag:$0x3] =	stream.strided.gather [hbm4b:s7+s15], $0x2780, s16, s15, $0x38;
	[tilespmem:$0x1CB00] =	vst v63  }
0x1d: {  	[spmem:s18], [sflag:s9] =	dma.local [hbm:s3], $0x2780  }
0x1e: {  	_ =	swait.ge [sflag:s19], $0x2780  }
0x1f: {  	[sflag:s19] =	ssyncset.done $0x0  }
0x20: {  	[sflag:s19] =	ssyncadd.s32 $0xFFFFD880  }
0x21: {  	_ =	swait.ge [sflag:s20], $0x2780  }
0x22: {  	[sflag:s20] =	ssyncset.done $0x0  }
0x23: {  	[sflag:s20] =	ssyncadd.s32 $0xFFFFD880  }
0x24: {  	_ =	swait.ge [sflag:s21], $0x2780  }
0x25: {  	[sflag:s21] =	ssyncset.done $0x0  }
0x26: {  	[sflag:s21] =	ssyncadd.s32 $0xFFFFD880  }
0x27: {  	[bflag:$0x0] =	sbarrier.arrive $0xFFFF  }
0x28: {  	[tilespmem:s22], [sflag:$0x1] =	stream.indirect.gather [hbm4b:s1+s15], $0x80, s12, s15, $0xb8;
	[tilespmem:$0x1CB00] =	vst v63  }
0x29: {  	p1 =	sne.s32 s8, $0x1;
	_ =	swait.ge [sflag:s23], $0x4000  }
.Ltmp0:
0x2a: {  	[sflag:s23] =	ssyncset.done $0x0;
	(pc) =	sbr.rel @!p1 .LBB2_3-.Ltmp0, $4  }
0x2b: {  	[sflag:s23] =	ssyncadd.s32 $0xFFFFC000  }
0x2c: {  	[spmem:s4] =	stream.indirect.scatter.add.f32 [tilespmem:s22], [sflag:$0x4], $0x80, s14, s15, $0xb8;
	[tilespmem:$0x1CB00] =	vst v63  }
0x2d: {  	s28 =	sadd.s32 $0xFFFFFFFF, s8;
	_ =	swait.ge [sflag:s19], $0x4000  }
0x2e: {  	s29 =	smov.u32 s14;
	s30 =	smov.u32 s12;
	[sflag:s19] =	ssyncset.done $0x0  }
.LBB2_2:
0x2f: {  	[sflag:s19] =	ssyncadd.s32 $0xFFFFC000;
	s29 =	sadd.s32 $0x80, s29;
	s30 =	sadd.s32 $0x80, s30  }
0x30: {  	[tilespmem:s22], [sflag:$0x1] =	stream.indirect.gather [hbm4b:s1+s15], $0x80, s30, s15, $0xb8;
	[tilespmem:$0x1CB00] =	vst v63  }
0x31: {  	p1 =	sne.s32 s28, $0x1;
	s28 =	sadd.s32 $0xFFFFFFFF, s28;
	_ =	swait.ge [sflag:s23], $0x4000  }
.Ltmp1:
0x32: {  	[sflag:s23] =	ssyncset.done $0x0;
	(pc) =	sbr.rel @p1 .LBB2_2-.Ltmp1, $4  }
0x33: {  	[sflag:s23] =	ssyncadd.s32 $0xFFFFC000  }
0x34: {  	[spmem:s4] =	stream.indirect.scatter.add.f32 [tilespmem:s22], [sflag:$0x4], $0x80, s29, s15, $0xb8;
	[tilespmem:$0x1CB00] =	vst v63  }
0x35: {  	_ =	swait.ge [sflag:s19], $0x4000  }
0x36: {  	[sflag:s19] =	ssyncset.done $0x0  }
.LBB2_3:
0x37: {  	[sflag:s19] =	ssyncadd.s32 $0xFFFFC000  }
0x38: {  	s28 =	simm.s32 @p0 $0x4;
	[bflag:$0x0] =	sbarrier.arrive $0xFFFF  }
0x39: {  	[hbm:s11], [sflag:s9] =	dma.local @p0 [spmem:s24], $0x2800  }
0x3a: {  	s26 =	sadd.s32 $0x1, s26;
	_ =	swait.ge @p0 [sflag:s28], $0x2800  }
0x3b: {  	p1 =	sne.s32 s26, s13;
	[sflag:s28] =	ssyncset.done @p0 $0x0  }
.Ltmp2:
0x3c: {  	[sflag:s28] =	ssyncadd.s32 @p0 $0xFFFFD800;
	s28 =	simm.s32 @!p0 $0x4;
	(pc) =	sbr.rel @p1 .LBB2_1-.Ltmp2, $4  }
0x3d: {  	[hbm:s10], [sflag:s9] =	dma.local @!p0 [spmem:s25], $0x2700  }
0x3e: {  	_ =	swait.ge @!p0 [sflag:s28], $0x2700  }
0x3f: {  	[sflag:s28] =	ssyncset.done @!p0 $0x0  }
0x40: {  	[sflag:s28] =	ssyncadd.s32 @!p0 $0xFFFFD900  }
0x41: {  	_ =	sfence.sel $0x180000  }
0x42: {  	[bflag:$0x0] =	sbarrier.arrive $0xFFFF  }
0x43: {  	p0 =	sne.s32 s2, $0x0;
	_ =	strace $0x90000047  }
0x44: {  	s0 =	sadd.s32 @!p0 $0x100000, s0;
	[bflag:$0x2] =	sbarrier.arrive $0xFFFF  }
0x45: {  	[sflag:s0] =	ssyncadd.tile.s32 @!p0 $0x1;
	_ =	shalt  }
.Lfunc_end2:
_tile_overlayer_lowered:
.L_overlay_start_2:
0x46: {  	(tag) =	ssettag $0x2  }
0x47: {  	s0 =	rddreg [dreg:$0x0];
	s2 =	stileid.u32  }
0x48: {  	s1 =	rddreg [dreg:$0x1];
	p0 =	sne.s32 s2, $0x0  }
0x49: {  	s3 =	rddreg [dreg:$0x2];
	[bflag:$0x3] =	sbarrier.arrive $0xFFFF;
	s2 =	simm.s32 @!p0 $0x1C04  }
0x4a: {  	[timem:s3], [sflag:s2] =	dma.local @!p0 [hbm:s0], s1  }
0x4b: {  	s0 =	simm.s32 @!p0 $0x4  }
0x4c: {  	_ =	swait.ge @!p0 [sflag:s0], s1  }
0x4d: {  	s1 =	ssub.s32 @!p0 $0x0, s1;
	[sflag:s0] =	ssyncset.done @!p0 $0x0  }
0x4e: {  	[sflag:s0] =	ssyncadd.s32 @!p0 s1  }
0x4f: {  	[bflag:$0x3] =	sbarrier.arrive $0xFFFF  }
0x50: {  	_ =	shalt  }

</sc_bundles>
